<compile_context>
chip_gen: v7x
topology: tpu7x:2x2x1
jax: 0.10.2.dev20260603
libtpu: 0.0.44.dev20260713+nightly
codegen_flags: <defaults>
</compile_context>

<pallas_src>
import functools

import jax
import jax.numpy as jnp
from jax import lax
from jax.experimental import pallas as pl
from jax.experimental.pallas import tpu as pltpu
from jax.experimental.pallas import tpu_sc as plsc

BSZ = 16384
NPOS = 52
HIDDEN = 128

_info = plsc.get_sparse_core_info()
_NC = _info.num_cores
_NS = _info.num_subcores
_NW = _NC * _NS
_ICH = 128
_BPW = BSZ // _NW
_NCHUNK = _BPW // _ICH

_PROW = 4
_PCOL = BSZ // _PROW

_sc_mesh = plsc.VectorSubcoreMesh(core_axis_name="c", subcore_axis_name="s")


@functools.partial(
    pl.kernel,
    mesh=_sc_mesh,
    out_type=jax.ShapeDtypeStruct((_PROW, _PCOL), jnp.int32),
    scratch_types=[
        pltpu.VMEM((_BPW,), jnp.int32),
        pltpu.VMEM((_BPW,), jnp.int32),
        pltpu.SemaphoreType.DMA,
        pltpu.SemaphoreType.DMA,
        pltpu.SemaphoreType.DMA,
    ],
)
def _pos_lookup(x_hbm, pos_hbm, out_hbm, xv, pv, isem, gsem, wsem):
    wid = lax.axis_index("s") * _NC + lax.axis_index("c")
    base = wid * _BPW
    row = base // _PCOL
    col = base % _PCOL
    loads = []
    for j in range(_NCHUNK):
        sl = pl.ds(j * _ICH, _ICH)
        loads.append(
            pltpu.async_copy(x_hbm.at[pl.ds(base + j * _ICH, _ICH)], xv.at[sl], isem)
        )
    gathers = []
    for j in range(_NCHUNK):
        sl = pl.ds(j * _ICH, _ICH)
        loads[j].wait()
        gathers.append(pltpu.async_copy(pos_hbm.at[xv.at[sl]], pv.at[sl], gsem))
    writes = []
    for j in range(_NCHUNK):
        sl = pl.ds(j * _ICH, _ICH)
        gathers[j].wait()
        writes.append(
            pltpu.async_copy(pv.at[sl], out_hbm.at[row, pl.ds(col + j * _ICH, _ICH)], wsem)
        )
    for w in writes:
        w.wait()


def _expand_body(p_ref, c_ref, h_ref, oc_ref, oh_ref):
    i = pl.program_id(0)
    pl2 = p_ref[pl.ds(i, 1), :]
    onehot_t = (
        pl2 == lax.broadcasted_iota(jnp.int32, (NPOS, _PCOL), 0)
    ).astype(jnp.bfloat16)
    tab = jnp.concatenate([c_ref[...], h_ref[...]], axis=1)
    tab_hi = tab.astype(jnp.bfloat16)
    tab_lo = (tab - tab_hi.astype(jnp.float32)).astype(jnp.bfloat16)
    dn = (((0,), (0,)), ((), ()))
    d = lax.dot_general(
        onehot_t, tab_hi, dn, preferred_element_type=jnp.float32
    ) + lax.dot_general(
        onehot_t, tab_lo, dn, preferred_element_type=jnp.float32
    )
    oc_ref[...] = d[:, :HIDDEN]
    oh_ref[...] = d[:, HIDDEN:]


_expand = pl.pallas_call(
    _expand_body,
    grid=(_PROW,),
    in_specs=[
        pl.BlockSpec((_PROW, _PCOL), lambda i: (0, 0)),
        pl.BlockSpec((NPOS, HIDDEN), lambda i: (0, 0)),
        pl.BlockSpec((NPOS, HIDDEN), lambda i: (0, 0)),
    ],
    out_specs=[
        pl.BlockSpec((_PCOL, HIDDEN), lambda i: (i, 0)),
        pl.BlockSpec((_PCOL, HIDDEN), lambda i: (i, 0)),
    ],
    out_shape=[
        jax.ShapeDtypeStruct((BSZ, HIDDEN), jnp.float32),
        jax.ShapeDtypeStruct((BSZ, HIDDEN), jnp.float32),
    ],
)


def kernel(x, pos, c_table, h_table):
    p = _pos_lookup(x.astype(jnp.int32), pos.astype(jnp.int32))
    oc, oh = _expand(p, c_table, h_table)
    return oc.reshape(1, BSZ, HIDDEN), oh.reshape(1, BSZ, HIDDEN)

# --- scband reference (transcript-rebuilt; emitter-appended) ---
"""Pipeline reference for scband-poscontext-55568286876358 (READ-ONLY COPY).

The authoritative reference and input builder live on the scoring server;
editing this copy changes nothing except your own understanding.
"""

import jax, jax.numpy as jnp
import numpy as np

BSZ = 16384
VOCAB = 100000
NPOS = 52
HIDDEN = 128
NLAYERS = 1

def setup_inputs(seed: int = 0) -> dict:
    key = jax.random.key(seed)
    k1, k2, k3, k4 = jax.random.split(key, 4)
    x = jax.random.randint(k1, (BSZ,), 0, VOCAB, dtype=jnp.int64 if jax.config.jax_enable_x64 else jnp.int32)
    pos = jax.random.randint(k2, (VOCAB,), 0, NPOS, dtype=jnp.int64 if jax.config.jax_enable_x64 else jnp.int32)
    c_table = jax.random.normal(k3, (NPOS, HIDDEN * NLAYERS), dtype=jnp.float32)
    h_table = jax.random.normal(k4, (NPOS, HIDDEN * NLAYERS), dtype=jnp.float32)
    return {"x": x, "pos": pos, "c_table": c_table, "h_table": h_table}

def reference(x, pos, c_table, h_table):
    # POSContext._pos_forward (dropout is identity in eval mode)
    bsz = x.shape[0]
    p = jnp.take(pos, x, axis=0)  # word id -> POS tag id
    x_c = jnp.take(c_table, p, axis=0)  # [bsz, hidden*nlayers]
    x_h = jnp.take(h_table, p, axis=0)
    x_c_emb = jnp.transpose(x_c.reshape(bsz, NLAYERS, -1), (1, 0, 2))  # [nlayers, bsz, hidden]
    x_h_emb = jnp.transpose(x_h.reshape(bsz, NLAYERS, -1), (1, 0, 2))
    return (x_c_emb, x_h_emb)

if __name__ == "__main__":
    import jax
    _d = setup_inputs()
    print(jax.jit(kernel)(*tuple(_d.values())))

</pallas_src>

<mosaic_0001>
#map = affine_map<(d0, d1) -> (0)>
#map1 = affine_map<(d0, d1) -> (0, 0)>
module attributes {stable_mosaic.version = 14 : i64} {
  func.func @_pos_lookup(%arg0: i32, %arg1: i32, %arg2: memref<16384xi32, #tpu.memory_space<hbm>>, %arg3: memref<100000xi32, #tpu.memory_space<hbm>>, %arg4: memref<4x4096xi32, #tpu.memory_space<hbm>>, %arg5: memref<512xi32, #tpu.memory_space<vmem>>, %arg6: memref<512xi32, #tpu.memory_space<vmem>>, %arg7: memref<!tpu.dma_semaphore, #tpu.memory_space<semaphore_mem>>, %arg8: memref<!tpu.dma_semaphore, #tpu.memory_space<semaphore_mem>>, %arg9: memref<!tpu.dma_semaphore, #tpu.memory_space<semaphore_mem>>) attributes {dimension_semantics = [#tpu.dimension_semantics<core_parallel>, #tpu.dimension_semantics<subcore_parallel>], iteration_bounds = array<i64: 2, 16>, scalar_prefetch = 0 : i64, scratch_operands = 5 : i64, tpu.core_type = #tpu.core_type<sc_vector_subcore>, window_params = [{transform_indices = #map}, {transform_indices = #map}, {transform_indices = #map1}]} {
    %mul3A = arith.constant 2 : i32
    %mul3A_0 = arith.muli %arg1, %mul3A : i32
    %add3A = arith.addi %mul3A_0, %arg0 : i32
    %mul3A_1 = arith.constant 512 : i32
    %mul3A_2 = arith.muli %add3A, %mul3A_1 : i32
    %jit3A = arith.constant 4096 : i32
    %div3A = arith.divsi %mul3A_2, %jit3A : i32
    %sign3A = arith.constant 0 : i32
    %sign3A_3 = arith.cmpi sgt, %mul3A_2, %sign3A : i32
    %sign3A_4 = arith.extui %sign3A_3 : i1 to i32
    %sign3A_5 = arith.constant 0 : i32
    %sign3A_6 = arith.cmpi slt, %mul3A_2, %sign3A_5 : i32
    %sign3A_7 = arith.extui %sign3A_6 : i1 to i32
    %sign3A_8 = arith.subi %sign3A_4, %sign3A_7 : i32
    %sign3A_9 = arith.constant 0 : i32
    %sign3A_10 = arith.cmpi sgt, %jit3A, %sign3A_9 : i32
    %sign3A_11 = arith.extui %sign3A_10 : i1 to i32
    %sign3A_12 = arith.constant 0 : i32
    %sign3A_13 = arith.cmpi slt, %jit3A, %sign3A_12 : i32
    %sign3A_14 = arith.extui %sign3A_13 : i1 to i32
    %sign3A_15 = arith.subi %sign3A_11, %sign3A_14 : i32
    %ne3A = arith.cmpi ne, %sign3A_8, %sign3A_15 : i32
    %rem3A = arith.remsi %mul3A_2, %jit3A : i32
    %ne3A_16 = arith.constant 0 : i32
    %ne3A_17 = arith.cmpi ne, %rem3A, %ne3A_16 : i32
    %and3A = arith.andi %ne3A, %ne3A_17 : i1
    %sub3A = arith.constant 1 : i32
    %sub3A_18 = arith.subi %div3A, %sub3A : i32
    %select_n3A = arith.select %and3A, %sub3A_18, %div3A : i32
    %jit3A_19 = arith.constant 4096 : i32
    %eq3A = arith.constant 0 : i32
    %eq3A_20 = arith.cmpi eq, %jit3A_19, %eq3A : i32
    %jit3A_21 = arith.constant 1 : i32
    %select_n3A_22 = arith.select %eq3A_20, %jit3A_21, %jit3A_19 : i32
    %rem3A_23 = arith.remsi %mul3A_2, %select_n3A_22 : i32
    %ne3A_24 = arith.constant 0 : i32
    %ne3A_25 = arith.cmpi ne, %rem3A_23, %ne3A_24 : i32
    %lt3A = arith.constant 0 : i32
    %lt3A_26 = arith.cmpi slt, %rem3A_23, %lt3A : i32
    %lt3A_27 = arith.constant 0 : i32
    %lt3A_28 = arith.cmpi slt, %select_n3A_22, %lt3A_27 : i32
    %ne3A_29 = arith.xori %lt3A_26, %lt3A_28 : i1
    %and3A_30 = arith.andi %ne3A_29, %ne3A_25 : i1
    %add3A_31 = arith.addi %rem3A_23, %select_n3A_22 : i32
    %select_n3A_32 = arith.select %and3A_30, %add3A_31, %rem3A_23 : i32
    %add3A_33 = arith.constant 0 : i32
    %add3A_34 = arith.addi %mul3A_2, %add3A_33 : i32
    %dma_start3A = arith.constant 0 : i32
    %dma_start3A_35 = tpu.memref_slice %arg5[%dma_start3A] : memref<512xi32, #tpu.memory_space<vmem>> -> memref<128xi32, #tpu.memory_space<vmem>>
    %dma_start3A_36 = tpu.memref_slice %arg2[%add3A_34] : memref<16384xi32, #tpu.memory_space<hbm>> -> memref<128xi32, #tpu.memory_space<hbm>>
    %dma_start3A_37 = arith.constant 0 : i32
    %dma_start3A_38 = tpu.memref_slice %arg5[%dma_start3A_37] : memref<512xi32, #tpu.memory_space<vmem>> -> memref<128xi32, #tpu.memory_space<vmem>>
    %dma_start3A_39 = tpu.memref_slice %arg2[%add3A_34] : memref<16384xi32, #tpu.memory_space<hbm>> -> memref<128xi32, #tpu.memory_space<hbm>>
    tpu.enqueue_dma source(%dma_start3A_39 : memref<128xi32, #tpu.memory_space<hbm>>) target(%dma_start3A_38 : memref<128xi32, #tpu.memory_space<vmem>>) target_semaphore(%arg7 : memref<!tpu.dma_semaphore, #tpu.memory_space<semaphore_mem>>)
    %add3A_40 = arith.constant 128 : i32
    %add3A_41 = arith.addi %mul3A_2, %add3A_40 : i32
    %dma_start3A_42 = arith.constant 128 : i32
    %dma_start3A_43 = tpu.memref_slice %arg5[%dma_start3A_42] : memref<512xi32, #tpu.memory_space<vmem>> -> memref<128xi32, #tpu.memory_space<vmem>>
    %dma_start3A_44 = tpu.memref_slice %arg2[%add3A_41] : memref<16384xi32, #tpu.memory_space<hbm>> -> memref<128xi32, #tpu.memory_space<hbm>>
    %dma_start3A_45 = arith.constant 128 : i32
    %dma_start3A_46 = tpu.memref_slice %arg5[%dma_start3A_45] : memref<512xi32, #tpu.memory_space<vmem>> -> memref<128xi32, #tpu.memory_space<vmem>>
    %dma_start3A_47 = tpu.memref_slice %arg2[%add3A_41] : memref<16384xi32, #tpu.memory_space<hbm>> -> memref<128xi32, #tpu.memory_space<hbm>>
    tpu.enqueue_dma source(%dma_start3A_47 : memref<128xi32, #tpu.memory_space<hbm>>) target(%dma_start3A_46 : memref<128xi32, #tpu.memory_space<vmem>>) target_semaphore(%arg7 : memref<!tpu.dma_semaphore, #tpu.memory_space<semaphore_mem>>)
    %add3A_48 = arith.constant 256 : i32
    %add3A_49 = arith.addi %mul3A_2, %add3A_48 : i32
    %dma_start3A_50 = arith.constant 256 : i32
    %dma_start3A_51 = tpu.memref_slice %arg5[%dma_start3A_50] : memref<512xi32, #tpu.memory_space<vmem>> -> memref<128xi32, #tpu.memory_space<vmem>>
    %dma_start3A_52 = tpu.memref_slice %arg2[%add3A_49] : memref<16384xi32, #tpu.memory_space<hbm>> -> memref<128xi32, #tpu.memory_space<hbm>>
    %dma_start3A_53 = arith.constant 256 : i32
    %dma_start3A_54 = tpu.memref_slice %arg5[%dma_start3A_53] : memref<512xi32, #tpu.memory_space<vmem>> -> memref<128xi32, #tpu.memory_space<vmem>>
    %dma_start3A_55 = tpu.memref_slice %arg2[%add3A_49] : memref<16384xi32, #tpu.memory_space<hbm>> -> memref<128xi32, #tpu.memory_space<hbm>>
    tpu.enqueue_dma source(%dma_start3A_55 : memref<128xi32, #tpu.memory_space<hbm>>) target(%dma_start3A_54 : memref<128xi32, #tpu.memory_space<vmem>>) target_semaphore(%arg7 : memref<!tpu.dma_semaphore, #tpu.memory_space<semaphore_mem>>)
    %add3A_56 = arith.constant 384 : i32
    %add3A_57 = arith.addi %mul3A_2, %add3A_56 : i32
    %dma_start3A_58 = arith.constant 384 : i32
    %dma_start3A_59 = tpu.memref_slice %arg5[%dma_start3A_58] : memref<512xi32, #tpu.memory_space<vmem>> -> memref<128xi32, #tpu.memory_space<vmem>>
    %dma_start3A_60 = tpu.memref_slice %arg2[%add3A_57] : memref<16384xi32, #tpu.memory_space<hbm>> -> memref<128xi32, #tpu.memory_space<hbm>>
    %dma_start3A_61 = arith.constant 384 : i32
    %dma_start3A_62 = tpu.memref_slice %arg5[%dma_start3A_61] : memref<512xi32, #tpu.memory_space<vmem>> -> memref<128xi32, #tpu.memory_space<vmem>>
    %dma_start3A_63 = tpu.memref_slice %arg2[%add3A_57] : memref<16384xi32, #tpu.memory_space<hbm>> -> memref<128xi32, #tpu.memory_space<hbm>>
    tpu.enqueue_dma source(%dma_start3A_63 : memref<128xi32, #tpu.memory_space<hbm>>) target(%dma_start3A_62 : memref<128xi32, #tpu.memory_space<vmem>>) target_semaphore(%arg7 : memref<!tpu.dma_semaphore, #tpu.memory_space<semaphore_mem>>)
    %dma_wait3A = arith.constant 0 : i32
    %dma_wait3A_64 = tpu.memref_slice %arg5[%dma_wait3A] : memref<512xi32, #tpu.memory_space<vmem>> -> memref<128xi32, #tpu.memory_space<vmem>>
    %dma_wait3A_65 = tpu.memref_slice %arg2[%add3A_34] : memref<16384xi32, #tpu.memory_space<hbm>> -> memref<128xi32, #tpu.memory_space<hbm>>
    %dma_wait3A_66 = arith.constant 0 : i32
    %dma_wait3A_67 = tpu.memref_slice %arg5[%dma_wait3A_66] : memref<512xi32, #tpu.memory_space<vmem>> -> memref<128xi32, #tpu.memory_space<vmem>>
    %dma_wait3A_68 = tpu.memref_slice %arg2[%add3A_34] : memref<16384xi32, #tpu.memory_space<hbm>> -> memref<128xi32, #tpu.memory_space<hbm>>
    tpu.wait_dma2 semaphore(%arg7 : memref<!tpu.dma_semaphore, #tpu.memory_space<semaphore_mem>>) src(%dma_wait3A_68 : memref<128xi32, #tpu.memory_space<hbm>>) dst(%dma_wait3A_67 : memref<128xi32, #tpu.memory_space<vmem>>)
    %dma_start3A_69 = arith.constant 0 : i32
    %dma_start3A_70 = tpu.memref_slice %arg6[%dma_start3A_69] : memref<512xi32, #tpu.memory_space<vmem>> -> memref<128xi32, #tpu.memory_space<vmem>>
    %dma_start3A_71 = arith.constant 0 : i32
    %dma_start3A_72 = tpu.memref_slice %arg5[%dma_start3A_71] : memref<512xi32, #tpu.memory_space<vmem>> -> memref<128xi32, #tpu.memory_space<vmem>>
    %dma_start3A_73 = arith.constant 0 : i32
    %dma_start3A_74 = tpu.memref_slice %arg3[%dma_start3A_73] : memref<100000xi32, #tpu.memory_space<hbm>> -> memref<100000xi32, #tpu.memory_space<hbm>>
    tpu.enqueue_indirect_dma source(%dma_start3A_74 : memref<100000xi32, #tpu.memory_space<hbm>>) target(%dma_start3A_70 : memref<128xi32, #tpu.memory_space<vmem>>) offsets(%dma_start3A_72 : memref<128xi32, #tpu.memory_space<vmem>>) semaphore(%arg8 : memref<!tpu.dma_semaphore, #tpu.memory_space<semaphore_mem>>)
    %dma_wait3A_75 = arith.constant 128 : i32
    %dma_wait3A_76 = tpu.memref_slice %arg5[%dma_wait3A_75] : memref<512xi32, #tpu.memory_space<vmem>> -> memref<128xi32, #tpu.memory_space<vmem>>
    %dma_wait3A_77 = tpu.memref_slice %arg2[%add3A_41] : memref<16384xi32, #tpu.memory_space<hbm>> -> memref<128xi32, #tpu.memory_space<hbm>>
    %dma_wait3A_78 = arith.constant 128 : i32
    %dma_wait3A_79 = tpu.memref_slice %arg5[%dma_wait3A_78] : memref<512xi32, #tpu.memory_space<vmem>> -> memref<128xi32, #tpu.memory_space<vmem>>
    %dma_wait3A_80 = tpu.memref_slice %arg2[%add3A_41] : memref<16384xi32, #tpu.memory_space<hbm>> -> memref<128xi32, #tpu.memory_space<hbm>>
    tpu.wait_dma2 semaphore(%arg7 : memref<!tpu.dma_semaphore, #tpu.memory_space<semaphore_mem>>) src(%dma_wait3A_80 : memref<128xi32, #tpu.memory_space<hbm>>) dst(%dma_wait3A_79 : memref<128xi32, #tpu.memory_space<vmem>>)
    %dma_start3A_81 = arith.constant 128 : i32
    %dma_start3A_82 = tpu.memref_slice %arg6[%dma_start3A_81] : memref<512xi32, #tpu.memory_space<vmem>> -> memref<128xi32, #tpu.memory_space<vmem>>
    %dma_start3A_83 = arith.constant 128 : i32
    %dma_start3A_84 = tpu.memref_slice %arg5[%dma_start3A_83] : memref<512xi32, #tpu.memory_space<vmem>> -> memref<128xi32, #tpu.memory_space<vmem>>
    %dma_start3A_85 = arith.constant 0 : i32
    %dma_start3A_86 = tpu.memref_slice %arg3[%dma_start3A_85] : memref<100000xi32, #tpu.memory_space<hbm>> -> memref<100000xi32, #tpu.memory_space<hbm>>
    tpu.enqueue_indirect_dma source(%dma_start3A_86 : memref<100000xi32, #tpu.memory_space<hbm>>) target(%dma_start3A_82 : memref<128xi32, #tpu.memory_space<vmem>>) offsets(%dma_start3A_84 : memref<128xi32, #tpu.memory_space<vmem>>) semaphore(%arg8 : memref<!tpu.dma_semaphore, #tpu.memory_space<semaphore_mem>>)
    %dma_wait3A_87 = arith.constant 256 : i32
    %dma_wait3A_88 = tpu.memref_slice %arg5[%dma_wait3A_87] : memref<512xi32, #tpu.memory_space<vmem>> -> memref<128xi32, #tpu.memory_space<vmem>>
    %dma_wait3A_89 = tpu.memref_slice %arg2[%add3A_49] : memref<16384xi32, #tpu.memory_space<hbm>> -> memref<128xi32, #tpu.memory_space<hbm>>
    %dma_wait3A_90 = arith.constant 256 : i32
    %dma_wait3A_91 = tpu.memref_slice %arg5[%dma_wait3A_90] : memref<512xi32, #tpu.memory_space<vmem>> -> memref<128xi32, #tpu.memory_space<vmem>>
    %dma_wait3A_92 = tpu.memref_slice %arg2[%add3A_49] : memref<16384xi32, #tpu.memory_space<hbm>> -> memref<128xi32, #tpu.memory_space<hbm>>
    tpu.wait_dma2 semaphore(%arg7 : memref<!tpu.dma_semaphore, #tpu.memory_space<semaphore_mem>>) src(%dma_wait3A_92 : memref<128xi32, #tpu.memory_space<hbm>>) dst(%dma_wait3A_91 : memref<128xi32, #tpu.memory_space<vmem>>)
    %dma_start3A_93 = arith.constant 256 : i32
    %dma_start3A_94 = tpu.memref_slice %arg6[%dma_start3A_93] : memref<512xi32, #tpu.memory_space<vmem>> -> memref<128xi32, #tpu.memory_space<vmem>>
    %dma_start3A_95 = arith.constant 256 : i32
    %dma_start3A_96 = tpu.memref_slice %arg5[%dma_start3A_95] : memref<512xi32, #tpu.memory_space<vmem>> -> memref<128xi32, #tpu.memory_space<vmem>>
    %dma_start3A_97 = arith.constant 0 : i32
    %dma_start3A_98 = tpu.memref_slice %arg3[%dma_start3A_97] : memref<100000xi32, #tpu.memory_space<hbm>> -> memref<100000xi32, #tpu.memory_space<hbm>>
    tpu.enqueue_indirect_dma source(%dma_start3A_98 : memref<100000xi32, #tpu.memory_space<hbm>>) target(%dma_start3A_94 : memref<128xi32, #tpu.memory_space<vmem>>) offsets(%dma_start3A_96 : memref<128xi32, #tpu.memory_space<vmem>>) semaphore(%arg8 : memref<!tpu.dma_semaphore, #tpu.memory_space<semaphore_mem>>)
    %dma_wait3A_99 = arith.constant 384 : i32
    %dma_wait3A_100 = tpu.memref_slice %arg5[%dma_wait3A_99] : memref<512xi32, #tpu.memory_space<vmem>> -> memref<128xi32, #tpu.memory_space<vmem>>
    %dma_wait3A_101 = tpu.memref_slice %arg2[%add3A_57] : memref<16384xi32, #tpu.memory_space<hbm>> -> memref<128xi32, #tpu.memory_space<hbm>>
    %dma_wait3A_102 = arith.constant 384 : i32
    %dma_wait3A_103 = tpu.memref_slice %arg5[%dma_wait3A_102] : memref<512xi32, #tpu.memory_space<vmem>> -> memref<128xi32, #tpu.memory_space<vmem>>
    %dma_wait3A_104 = tpu.memref_slice %arg2[%add3A_57] : memref<16384xi32, #tpu.memory_space<hbm>> -> memref<128xi32, #tpu.memory_space<hbm>>
    tpu.wait_dma2 semaphore(%arg7 : memref<!tpu.dma_semaphore, #tpu.memory_space<semaphore_mem>>) src(%dma_wait3A_104 : memref<128xi32, #tpu.memory_space<hbm>>) dst(%dma_wait3A_103 : memref<128xi32, #tpu.memory_space<vmem>>)
    %dma_start3A_105 = arith.constant 384 : i32
    %dma_start3A_106 = tpu.memref_slice %arg6[%dma_start3A_105] : memref<512xi32, #tpu.memory_space<vmem>> -> memref<128xi32, #tpu.memory_space<vmem>>
    %dma_start3A_107 = arith.constant 384 : i32
    %dma_start3A_108 = tpu.memref_slice %arg5[%dma_start3A_107] : memref<512xi32, #tpu.memory_space<vmem>> -> memref<128xi32, #tpu.memory_space<vmem>>
    %dma_start3A_109 = arith.constant 0 : i32
    %dma_start3A_110 = tpu.memref_slice %arg3[%dma_start3A_109] : memref<100000xi32, #tpu.memory_space<hbm>> -> memref<100000xi32, #tpu.memory_space<hbm>>
    tpu.enqueue_indirect_dma source(%dma_start3A_110 : memref<100000xi32, #tpu.memory_space<hbm>>) target(%dma_start3A_106 : memref<128xi32, #tpu.memory_space<vmem>>) offsets(%dma_start3A_108 : memref<128xi32, #tpu.memory_space<vmem>>) semaphore(%arg8 : memref<!tpu.dma_semaphore, #tpu.memory_space<semaphore_mem>>)
    %dma_wait3A_111 = arith.constant 0 : i32
    %dma_wait3A_112 = tpu.memref_slice %arg6[%dma_wait3A_111] : memref<512xi32, #tpu.memory_space<vmem>> -> memref<128xi32, #tpu.memory_space<vmem>>
    %dma_wait3A_113 = arith.constant 0 : i32
    %dma_wait3A_114 = tpu.memref_slice %arg5[%dma_wait3A_113] : memref<512xi32, #tpu.memory_space<vmem>> -> memref<128xi32, #tpu.memory_space<vmem>>
    %dma_wait3A_115 = arith.constant 0 : i32
    %dma_wait3A_116 = tpu.memref_slice %arg3[%dma_wait3A_115] : memref<100000xi32, #tpu.memory_space<hbm>> -> memref<100000xi32, #tpu.memory_space<hbm>>
    tpu.wait_indirect_dma semaphore(%arg8 : memref<!tpu.dma_semaphore, #tpu.memory_space<semaphore_mem>>) src(%dma_wait3A_116 : memref<100000xi32, #tpu.memory_space<hbm>>) dst(%dma_wait3A_112 : memref<128xi32, #tpu.memory_space<vmem>>)
    %add3A_117 = arith.constant 0 : i32
    %add3A_118 = arith.addi %select_n3A_32, %add3A_117 : i32
    %dma_start3A_119 = arith.constant 0 : i32
    %dma_start3A_120 = tpu.memref_slice %arg6[%dma_start3A_119] : memref<512xi32, #tpu.memory_space<vmem>> -> memref<128xi32, #tpu.memory_space<vmem>>
    %dma_start3A_121 = tpu.memref_slice %arg4[%select_n3A, %add3A_118] : memref<4x4096xi32, #tpu.memory_space<hbm>> -> memref<1x128xi32, #tpu.memory_space<hbm>>
    %dma_start3A_122 = tpu.memref_squeeze %dma_start3A_121 : memref<1x128xi32, #tpu.memory_space<hbm>> -> memref<128xi32, #tpu.memory_space<hbm>>
    %dma_start3A_123 = tpu.memref_slice %arg4[%select_n3A, %add3A_118] : memref<4x4096xi32, #tpu.memory_space<hbm>> -> memref<1x128xi32, #tpu.memory_space<hbm>>
    %dma_start3A_124 = tpu.memref_squeeze %dma_start3A_123 : memref<1x128xi32, #tpu.memory_space<hbm>> -> memref<128xi32, #tpu.memory_space<hbm>>
    %dma_start3A_125 = arith.constant 0 : i32
    %dma_start3A_126 = tpu.memref_slice %arg6[%dma_start3A_125] : memref<512xi32, #tpu.memory_space<vmem>> -> memref<128xi32, #tpu.memory_space<vmem>>
    tpu.enqueue_dma source(%dma_start3A_126 : memref<128xi32, #tpu.memory_space<vmem>>) target(%dma_start3A_124 : memref<128xi32, #tpu.memory_space<hbm>>) target_semaphore(%arg9 : memref<!tpu.dma_semaphore, #tpu.memory_space<semaphore_mem>>)
    %dma_wait3A_127 = arith.constant 128 : i32
    %dma_wait3A_128 = tpu.memref_slice %arg6[%dma_wait3A_127] : memref<512xi32, #tpu.memory_space<vmem>> -> memref<128xi32, #tpu.memory_space<vmem>>
    %dma_wait3A_129 = arith.constant 128 : i32
    %dma_wait3A_130 = tpu.memref_slice %arg5[%dma_wait3A_129] : memref<512xi32, #tpu.memory_space<vmem>> -> memref<128xi32, #tpu.memory_space<vmem>>
    %dma_wait3A_131 = arith.constant 0 : i32
    %dma_wait3A_132 = tpu.memref_slice %arg3[%dma_wait3A_131] : memref<100000xi32, #tpu.memory_space<hbm>> -> memref<100000xi32, #tpu.memory_space<hbm>>
    tpu.wait_indirect_dma semaphore(%arg8 : memref<!tpu.dma_semaphore, #tpu.memory_space<semaphore_mem>>) src(%dma_wait3A_132 : memref<100000xi32, #tpu.memory_space<hbm>>) dst(%dma_wait3A_128 : memref<128xi32, #tpu.memory_space<vmem>>)
    %add3A_133 = arith.constant 128 : i32
    %add3A_134 = arith.addi %select_n3A_32, %add3A_133 : i32
    %dma_start3A_135 = arith.constant 128 : i32
    %dma_start3A_136 = tpu.memref_slice %arg6[%dma_start3A_135] : memref<512xi32, #tpu.memory_space<vmem>> -> memref<128xi32, #tpu.memory_space<vmem>>
    %dma_start3A_137 = tpu.memref_slice %arg4[%select_n3A, %add3A_134] : memref<4x4096xi32, #tpu.memory_space<hbm>> -> memref<1x128xi32, #tpu.memory_space<hbm>>
    %dma_start3A_138 = tpu.memref_squeeze %dma_start3A_137 : memref<1x128xi32, #tpu.memory_space<hbm>> -> memref<128xi32, #tpu.memory_space<hbm>>
    %dma_start3A_139 = tpu.memref_slice %arg4[%select_n3A, %add3A_134] : memref<4x4096xi32, #tpu.memory_space<hbm>> -> memref<1x128xi32, #tpu.memory_space<hbm>>
    %dma_start3A_140 = tpu.memref_squeeze %dma_start3A_139 : memref<1x128xi32, #tpu.memory_space<hbm>> -> memref<128xi32, #tpu.memory_space<hbm>>
    %dma_start3A_141 = arith.constant 128 : i32
    %dma_start3A_142 = tpu.memref_slice %arg6[%dma_start3A_141] : memref<512xi32, #tpu.memory_space<vmem>> -> memref<128xi32, #tpu.memory_space<vmem>>
    tpu.enqueue_dma source(%dma_start3A_142 : memref<128xi32, #tpu.memory_space<vmem>>) target(%dma_start3A_140 : memref<128xi32, #tpu.memory_space<hbm>>) target_semaphore(%arg9 : memref<!tpu.dma_semaphore, #tpu.memory_space<semaphore_mem>>)
    %dma_wait3A_143 = arith.constant 256 : i32
    %dma_wait3A_144 = tpu.memref_slice %arg6[%dma_wait3A_143] : memref<512xi32, #tpu.memory_space<vmem>> -> memref<128xi32, #tpu.memory_space<vmem>>
    %dma_wait3A_145 = arith.constant 256 : i32
    %dma_wait3A_146 = tpu.memref_slice %arg5[%dma_wait3A_145] : memref<512xi32, #tpu.memory_space<vmem>> -> memref<128xi32, #tpu.memory_space<vmem>>
    %dma_wait3A_147 = arith.constant 0 : i32
    %dma_wait3A_148 = tpu.memref_slice %arg3[%dma_wait3A_147] : memref<100000xi32, #tpu.memory_space<hbm>> -> memref<100000xi32, #tpu.memory_space<hbm>>
    tpu.wait_indirect_dma semaphore(%arg8 : memref<!tpu.dma_semaphore, #tpu.memory_space<semaphore_mem>>) src(%dma_wait3A_148 : memref<100000xi32, #tpu.memory_space<hbm>>) dst(%dma_wait3A_144 : memref<128xi32, #tpu.memory_space<vmem>>)
    %add3A_149 = arith.constant 256 : i32
    %add3A_150 = arith.addi %select_n3A_32, %add3A_149 : i32
    %dma_start3A_151 = arith.constant 256 : i32
    %dma_start3A_152 = tpu.memref_slice %arg6[%dma_start3A_151] : memref<512xi32, #tpu.memory_space<vmem>> -> memref<128xi32, #tpu.memory_space<vmem>>
    %dma_start3A_153 = tpu.memref_slice %arg4[%select_n3A, %add3A_150] : memref<4x4096xi32, #tpu.memory_space<hbm>> -> memref<1x128xi32, #tpu.memory_space<hbm>>
    %dma_start3A_154 = tpu.memref_squeeze %dma_start3A_153 : memref<1x128xi32, #tpu.memory_space<hbm>> -> memref<128xi32, #tpu.memory_space<hbm>>
    %dma_start3A_155 = tpu.memref_slice %arg4[%select_n3A, %add3A_150] : memref<4x4096xi32, #tpu.memory_space<hbm>> -> memref<1x128xi32, #tpu.memory_space<hbm>>
    %dma_start3A_156 = tpu.memref_squeeze %dma_start3A_155 : memref<1x128xi32, #tpu.memory_space<hbm>> -> memref<128xi32, #tpu.memory_space<hbm>>
    %dma_start3A_157 = arith.constant 256 : i32
    %dma_start3A_158 = tpu.memref_slice %arg6[%dma_start3A_157] : memref<512xi32, #tpu.memory_space<vmem>> -> memref<128xi32, #tpu.memory_space<vmem>>
    tpu.enqueue_dma source(%dma_start3A_158 : memref<128xi32, #tpu.memory_space<vmem>>) target(%dma_start3A_156 : memref<128xi32, #tpu.memory_space<hbm>>) target_semaphore(%arg9 : memref<!tpu.dma_semaphore, #tpu.memory_space<semaphore_mem>>)
    %dma_wait3A_159 = arith.constant 384 : i32
    %dma_wait3A_160 = tpu.memref_slice %arg6[%dma_wait3A_159] : memref<512xi32, #tpu.memory_space<vmem>> -> memref<128xi32, #tpu.memory_space<vmem>>
    %dma_wait3A_161 = arith.constant 384 : i32
    %dma_wait3A_162 = tpu.memref_slice %arg5[%dma_wait3A_161] : memref<512xi32, #tpu.memory_space<vmem>> -> memref<128xi32, #tpu.memory_space<vmem>>
    %dma_wait3A_163 = arith.constant 0 : i32
    %dma_wait3A_164 = tpu.memref_slice %arg3[%dma_wait3A_163] : memref<100000xi32, #tpu.memory_space<hbm>> -> memref<100000xi32, #tpu.memory_space<hbm>>
    tpu.wait_indirect_dma semaphore(%arg8 : memref<!tpu.dma_semaphore, #tpu.memory_space<semaphore_mem>>) src(%dma_wait3A_164 : memref<100000xi32, #tpu.memory_space<hbm>>) dst(%dma_wait3A_160 : memref<128xi32, #tpu.memory_space<vmem>>)
    %add3A_165 = arith.constant 384 : i32
    %add3A_166 = arith.addi %select_n3A_32, %add3A_165 : i32
    %dma_start3A_167 = arith.constant 384 : i32
    %dma_start3A_168 = tpu.memref_slice %arg6[%dma_start3A_167] : memref<512xi32, #tpu.memory_space<vmem>> -> memref<128xi32, #tpu.memory_space<vmem>>
    %dma_start3A_169 = tpu.memref_slice %arg4[%select_n3A, %add3A_166] : memref<4x4096xi32, #tpu.memory_space<hbm>> -> memref<1x128xi32, #tpu.memory_space<hbm>>
    %dma_start3A_170 = tpu.memref_squeeze %dma_start3A_169 : memref<1x128xi32, #tpu.memory_space<hbm>> -> memref<128xi32, #tpu.memory_space<hbm>>
    %dma_start3A_171 = tpu.memref_slice %arg4[%select_n3A, %add3A_166] : memref<4x4096xi32, #tpu.memory_space<hbm>> -> memref<1x128xi32, #tpu.memory_space<hbm>>
    %dma_start3A_172 = tpu.memref_squeeze %dma_start3A_171 : memref<1x128xi32, #tpu.memory_space<hbm>> -> memref<128xi32, #tpu.memory_space<hbm>>
    %dma_start3A_173 = arith.constant 384 : i32
    %dma_start3A_174 = tpu.memref_slice %arg6[%dma_start3A_173] : memref<512xi32, #tpu.memory_space<vmem>> -> memref<128xi32, #tpu.memory_space<vmem>>
    tpu.enqueue_dma source(%dma_start3A_174 : memref<128xi32, #tpu.memory_space<vmem>>) target(%dma_start3A_172 : memref<128xi32, #tpu.memory_space<hbm>>) target_semaphore(%arg9 : memref<!tpu.dma_semaphore, #tpu.memory_space<semaphore_mem>>)
    %dma_wait3A_175 = arith.constant 0 : i32
    %dma_wait3A_176 = tpu.memref_slice %arg6[%dma_wait3A_175] : memref<512xi32, #tpu.memory_space<vmem>> -> memref<128xi32, #tpu.memory_space<vmem>>
    %dma_wait3A_177 = tpu.memref_slice %arg4[%select_n3A, %add3A_118] : memref<4x4096xi32, #tpu.memory_space<hbm>> -> memref<1x128xi32, #tpu.memory_space<hbm>>
    %dma_wait3A_178 = tpu.memref_squeeze %dma_wait3A_177 : memref<1x128xi32, #tpu.memory_space<hbm>> -> memref<128xi32, #tpu.memory_space<hbm>>
    %dma_wait3A_179 = tpu.memref_slice %arg4[%select_n3A, %add3A_118] : memref<4x4096xi32, #tpu.memory_space<hbm>> -> memref<1x128xi32, #tpu.memory_space<hbm>>
    %dma_wait3A_180 = tpu.memref_squeeze %dma_wait3A_179 : memref<1x128xi32, #tpu.memory_space<hbm>> -> memref<128xi32, #tpu.memory_space<hbm>>
    %dma_wait3A_181 = arith.constant 0 : i32
    %dma_wait3A_182 = tpu.memref_slice %arg6[%dma_wait3A_181] : memref<512xi32, #tpu.memory_space<vmem>> -> memref<128xi32, #tpu.memory_space<vmem>>
    tpu.wait_dma2 semaphore(%arg9 : memref<!tpu.dma_semaphore, #tpu.memory_space<semaphore_mem>>) src(%dma_wait3A_182 : memref<128xi32, #tpu.memory_space<vmem>>) dst(%dma_wait3A_180 : memref<128xi32, #tpu.memory_space<hbm>>)
    %dma_wait3A_183 = arith.constant 128 : i32
    %dma_wait3A_184 = tpu.memref_slice %arg6[%dma_wait3A_183] : memref<512xi32, #tpu.memory_space<vmem>> -> memref<128xi32, #tpu.memory_space<vmem>>
    %dma_wait3A_185 = tpu.memref_slice %arg4[%select_n3A, %add3A_134] : memref<4x4096xi32, #tpu.memory_space<hbm>> -> memref<1x128xi32, #tpu.memory_space<hbm>>
    %dma_wait3A_186 = tpu.memref_squeeze %dma_wait3A_185 : memref<1x128xi32, #tpu.memory_space<hbm>> -> memref<128xi32, #tpu.memory_space<hbm>>
    %dma_wait3A_187 = tpu.memref_slice %arg4[%select_n3A, %add3A_134] : memref<4x4096xi32, #tpu.memory_space<hbm>> -> memref<1x128xi32, #tpu.memory_space<hbm>>
    %dma_wait3A_188 = tpu.memref_squeeze %dma_wait3A_187 : memref<1x128xi32, #tpu.memory_space<hbm>> -> memref<128xi32, #tpu.memory_space<hbm>>
    %dma_wait3A_189 = arith.constant 128 : i32
    %dma_wait3A_190 = tpu.memref_slice %arg6[%dma_wait3A_189] : memref<512xi32, #tpu.memory_space<vmem>> -> memref<128xi32, #tpu.memory_space<vmem>>
    tpu.wait_dma2 semaphore(%arg9 : memref<!tpu.dma_semaphore, #tpu.memory_space<semaphore_mem>>) src(%dma_wait3A_190 : memref<128xi32, #tpu.memory_space<vmem>>) dst(%dma_wait3A_188 : memref<128xi32, #tpu.memory_space<hbm>>)
    %dma_wait3A_191 = arith.constant 256 : i32
    %dma_wait3A_192 = tpu.memref_slice %arg6[%dma_wait3A_191] : memref<512xi32, #tpu.memory_space<vmem>> -> memref<128xi32, #tpu.memory_space<vmem>>
    %dma_wait3A_193 = tpu.memref_slice %arg4[%select_n3A, %add3A_150] : memref<4x4096xi32, #tpu.memory_space<hbm>> -> memref<1x128xi32, #tpu.memory_space<hbm>>
    %dma_wait3A_194 = tpu.memref_squeeze %dma_wait3A_193 : memref<1x128xi32, #tpu.memory_space<hbm>> -> memref<128xi32, #tpu.memory_space<hbm>>
    %dma_wait3A_195 = tpu.memref_slice %arg4[%select_n3A, %add3A_150] : memref<4x4096xi32, #tpu.memory_space<hbm>> -> memref<1x128xi32, #tpu.memory_space<hbm>>
    %dma_wait3A_196 = tpu.memref_squeeze %dma_wait3A_195 : memref<1x128xi32, #tpu.memory_space<hbm>> -> memref<128xi32, #tpu.memory_space<hbm>>
    %dma_wait3A_197 = arith.constant 256 : i32
    %dma_wait3A_198 = tpu.memref_slice %arg6[%dma_wait3A_197] : memref<512xi32, #tpu.memory_space<vmem>> -> memref<128xi32, #tpu.memory_space<vmem>>
    tpu.wait_dma2 semaphore(%arg9 : memref<!tpu.dma_semaphore, #tpu.memory_space<semaphore_mem>>) src(%dma_wait3A_198 : memref<128xi32, #tpu.memory_space<vmem>>) dst(%dma_wait3A_196 : memref<128xi32, #tpu.memory_space<hbm>>)
    %dma_wait3A_199 = arith.constant 384 : i32
    %dma_wait3A_200 = tpu.memref_slice %arg6[%dma_wait3A_199] : memref<512xi32, #tpu.memory_space<vmem>> -> memref<128xi32, #tpu.memory_space<vmem>>
    %dma_wait3A_201 = tpu.memref_slice %arg4[%select_n3A, %add3A_166] : memref<4x4096xi32, #tpu.memory_space<hbm>> -> memref<1x128xi32, #tpu.memory_space<hbm>>
    %dma_wait3A_202 = tpu.memref_squeeze %dma_wait3A_201 : memref<1x128xi32, #tpu.memory_space<hbm>> -> memref<128xi32, #tpu.memory_space<hbm>>
    %dma_wait3A_203 = tpu.memref_slice %arg4[%select_n3A, %add3A_166] : memref<4x4096xi32, #tpu.memory_space<hbm>> -> memref<1x128xi32, #tpu.memory_space<hbm>>
    %dma_wait3A_204 = tpu.memref_squeeze %dma_wait3A_203 : memref<1x128xi32, #tpu.memory_space<hbm>> -> memref<128xi32, #tpu.memory_space<hbm>>
    %dma_wait3A_205 = arith.constant 384 : i32
    %dma_wait3A_206 = tpu.memref_slice %arg6[%dma_wait3A_205] : memref<512xi32, #tpu.memory_space<vmem>> -> memref<128xi32, #tpu.memory_space<vmem>>
    tpu.wait_dma2 semaphore(%arg9 : memref<!tpu.dma_semaphore, #tpu.memory_space<semaphore_mem>>) src(%dma_wait3A_206 : memref<128xi32, #tpu.memory_space<vmem>>) dst(%dma_wait3A_204 : memref<128xi32, #tpu.memory_space<hbm>>)
    return
  }
}

module attributes {stable_mosaic.version = 14 : i64} {
  func.func @_expand_body(%arg0: i32, %arg1: memref<4x4096xi32, #tpu.memory_space<vmem>>, %arg2: memref<52x128xf32, #tpu.memory_space<vmem>>, %arg3: memref<52x128xf32, #tpu.memory_space<vmem>>, %arg4: memref<4096x128xf32, #tpu.memory_space<vmem>>, %arg5: memref<4096x128xf32, #tpu.memory_space<vmem>>) attributes {dimension_semantics = [#tpu.dimension_semantics<arbitrary>], iteration_bounds = array<i64: 4>, scalar_prefetch = 0 : i64, scratch_operands = 0 : i64, tpu.core_type = #tpu.core_type<tc>, window_params = [{pipeline_mode = #tpu.pipeline_mode<synchronous>, transform_indices = @transform_0, window_bounds = array<i64: 4, 4096>}, {pipeline_mode = #tpu.pipeline_mode<synchronous>, transform_indices = @transform_1, window_bounds = array<i64: 52, 128>}, {pipeline_mode = #tpu.pipeline_mode<synchronous>, transform_indices = @transform_2, window_bounds = array<i64: 52, 128>}, {transform_indices = @transform_3, window_bounds = array<i64: 4096, 128>}, {transform_indices = @transform_4, window_bounds = array<i64: 4096, 128>}]} {
    %get3A = arith.index_cast %arg0 : i32 to index
    %get3A_0 = arith.constant 0 : index
    %get3A_1 = vector.load %arg1[%get3A, %get3A_0] : memref<4x4096xi32, #tpu.memory_space<vmem>>, vector<1x4096xi32>
    %iota3A = tpu.iota {dimensions = array<i32: 0>} : vector<52x4096xi32>
    %eq3A = vector.broadcast %get3A_1 : vector<1x4096xi32> to vector<52x4096xi32>
    %eq3A_2 = arith.cmpi eq, %eq3A, %iota3A : vector<52x4096xi32>
    %convert_element_type3A = arith.extui %eq3A_2 : vector<52x4096xi1> to vector<52x4096xi32>
    %convert_element_type3A_3 = arith.sitofp %convert_element_type3A : vector<52x4096xi32> to vector<52x4096xf32>
    %convert_element_type3A_4 = arith.truncf %convert_element_type3A_3 : vector<52x4096xf32> to vector<52x4096xbf16>
    %get3A_5 = arith.constant 0 : index
    %get3A_6 = arith.constant 0 : index
    %get3A_7 = vector.load %arg2[%get3A_5, %get3A_6] : memref<52x128xf32, #tpu.memory_space<vmem>>, vector<52x128xf32>
    %get3A_8 = arith.constant 0 : index
    %get3A_9 = arith.constant 0 : index
    %get3A_10 = vector.load %arg3[%get3A_8, %get3A_9] : memref<52x128xf32, #tpu.memory_space<vmem>>, vector<52x128xf32>
    %concatenate3A = tpu.concatenate %get3A_7, %get3A_10 in 1 : vector<52x128xf32>, vector<52x128xf32> -> vector<52x256xf32>
    %convert_element_type3A_11 = arith.truncf %concatenate3A : vector<52x256xf32> to vector<52x256xbf16>
    %convert_element_type3A_12 = arith.extf %convert_element_type3A_11 : vector<52x256xbf16> to vector<52x256xf32>
    %sub3A = arith.subf %concatenate3A, %convert_element_type3A_12 : vector<52x256xf32>
    %convert_element_type3A_13 = arith.truncf %sub3A : vector<52x256xf32> to vector<52x256xbf16>
    %dot_general3A = arith.constant dense<0.000000e+00> : vector<4096x256xf32>
    %dot_general3A_14 = tpu.matmul %convert_element_type3A_4, %convert_element_type3A_11, %dot_general3A {dimension_numbers = #tpu.dot_dimension_numbers<[0], [0], [1], [1], [0, 1, 1, 1], [], []>, transpose_lhs_hint = false} : vector<52x4096xbf16>, vector<52x256xbf16>, vector<4096x256xf32> -> vector<4096x256xf32>
    %dot_general3A_15 = arith.constant dense<0.000000e+00> : vector<4096x256xf32>
    %dot_general3A_16 = tpu.matmul %convert_element_type3A_4, %convert_element_type3A_13, %dot_general3A_15 {dimension_numbers = #tpu.dot_dimension_numbers<[0], [0], [1], [1], [0, 1, 1, 1], [], []>, transpose_lhs_hint = false} : vector<52x4096xbf16>, vector<52x256xbf16>, vector<4096x256xf32> -> vector<4096x256xf32>
    %add3A = arith.addf %dot_general3A_14, %dot_general3A_16 : vector<4096x256xf32>
    %slice3A = vector.extract_strided_slice %add3A {offsets = [0, 0], sizes = [4096, 128], strides = [1, 1]} : vector<4096x256xf32> to vector<4096x128xf32>
    %swap3A = arith.constant 0 : index
    %swap3A_17 = arith.constant 0 : index
    %swap3A_18 = vector.load %arg4[%swap3A, %swap3A_17] : memref<4096x128xf32, #tpu.memory_space<vmem>>, vector<4096x128xf32>
    tpu.vector_store %arg4[%swap3A, %swap3A_17], %slice3A {strides = array<i32>} : memref<4096x128xf32, #tpu.memory_space<vmem>>, vector<4096x128xf32>,
    %slice3A_19 = vector.extract_strided_slice %add3A {offsets = [0, 128], sizes = [4096, 128], strides = [1, 1]} : vector<4096x256xf32> to vector<4096x128xf32>
    %swap3A_20 = arith.constant 0 : index
    %swap3A_21 = arith.constant 0 : index
    %swap3A_22 = vector.load %arg5[%swap3A_20, %swap3A_21] : memref<4096x128xf32, #tpu.memory_space<vmem>>, vector<4096x128xf32>
    tpu.vector_store %arg5[%swap3A_20, %swap3A_21], %slice3A_19 {strides = array<i32>} : memref<4096x128xf32, #tpu.memory_space<vmem>>, vector<4096x128xf32>,
    return
  }
  func.func @transform_0(%arg0: i32) -> (i32, i32) {
    %c0_i32 = arith.constant 0 : i32
    %c0_i32_0 = arith.constant 0 : i32
    %c0_i32_1 = arith.constant 0 : i32
    return %c0_i32, %c0_i32_0 : i32, i32
  }
  func.func @transform_1(%arg0: i32) -> (i32, i32) {
    %c0_i32 = arith.constant 0 : i32
    %c0_i32_0 = arith.constant 0 : i32
    %c0_i32_1 = arith.constant 0 : i32
    return %c0_i32, %c0_i32_0 : i32, i32
  }
  func.func @transform_2(%arg0: i32) -> (i32, i32) {
    %c0_i32 = arith.constant 0 : i32
    %c0_i32_0 = arith.constant 0 : i32
    %c0_i32_1 = arith.constant 0 : i32
    return %c0_i32, %c0_i32_0 : i32, i32
  }
  func.func @transform_3(%arg0: i32) -> (i32, i32) {
    %c0_i32 = arith.constant 0 : i32
    %c0_i32_0 = arith.constant 0 : i32
    return %arg0, %c0_i32 : i32, i32
  }
  func.func @transform_4(%arg0: i32) -> (i32, i32) {
    %c0_i32 = arith.constant 0 : i32
    %c0_i32_0 = arith.constant 0 : i32
    return %arg0, %c0_i32 : i32, i32
  }
}

</mosaic_0001>

<sc_bundles>
// kernel: kernel.4.cloned.1.call-start
scs
__scs_entry_jumppad:
0x0: {  	(pc) =	sbr.rel $0x88, $3  }
0x1: {  	(tag) =	ssettag $0x0;
	lr =	simm.s32 $0x1  }
0x2: {  	[smem:$0x3F9D] =	sst lr;
	_ =	strace $0xD0000000  }
0x3: {  	_ = 	snop  }
0x4: {  	_ = 	snop  }
0x5: {  	_ = 	snop  }
0x6: {  	_ = 	snop  }
0x7: {  	_ = 	snop  }
__scs_overlays_trampoline_lowered:
0x8: {  	[smem:$0x3FAC] =	sst s0  }
0x9: {  	[smem:$0x3FAD] =	sst s1  }
0xa: {  	[smem:$0x3FAE] =	sst s2  }
0xb: {  	[smem:$0x3FAF] =	sst s3  }
0xc: {  	[smem:$0x3FB0] =	sst s4  }
0xd: {  	[smem:$0x3FB1] =	sst s5  }
0xe: {  	[smem:$0x3FB2] =	sst s6  }
0xf: {  	[smem:$0x3FB3] =	sst s7  }
0x10: {  	[smem:$0x3FB4] =	sst s8  }
0x11: {  	[smem:$0x3FB5] =	sst s9;
	s0 =	simm.s32 @!p0 $0x0  }
0x12: {  	s1 =	sld [smem:$0x3F9B];
	s0 =	simm.s32 @p0 $0x1  }
0x13: {  	[smem:$0x3FB6] =	sst s0;
	s0 =	simm.s32 @!p1 $0x0  }
0x14: {  	s2 =	sld [smem:$0x3F9A];
	s0 =	simm.s32 @p1 $0x1  }
0x15: {  	[smem:$0x3FB7] =	sst s0;
	s0 =	simm.s32 @!p2 $0x0  }
0x16: {  	s3 =	sld [smem:$0x3FDB];
	s0 =	simm.s32 @p2 $0x1  }
0x17: {  	s4 =	simm.s32 $0x1BF5;
	[smem:$0x3FB9] =	sst s0  }
0x18: {  	s0 =	sld [smem:$0x3F9C];
	_ =	swait.ge [sflag:s4], $0x0  }
0x19: {  	s7 =	sld [smem:$0x3F9D]  }
0x1a: {  	s8 =	sadd.s32 $0xFFFFE003, lr  }
0x1b: {  	s9 =	sadd.s32 $0xFFFFFEF7, lr;
	s5 =	simm.s32 $0xFFFFFFFF;
	p2 =	slt.u32 s8, $0xFFFFF086  }
0x1c: {  	p1 =	slt.u32 s9, $0xF7A;
	s5 =	simm.s32 @!p2 $0x0  }
0x1d: {  	s5 =	simm.s32 @p1 $0x1;
	p0 =	seq.s32 s7, s2  }
0x1e: {  	s7 =	smul.u32 @!p0 $0xF7A, s2;
	p2 =	seq.s32 @!p0 s5, $0x0  }
0x1f: {  	s9 =	smul.u32 $0xF7A, s1;
	s8 =	simm.s32 @!p0 $0x1BF5;
	p2 =	por !p2, p0  }
0x20: {  	[sflag:s8] =	ssyncset.s32 @!p0 $0xFFFFF086;
	s6 =	sadd.s32 @!p0 s3, s7;
	s7 =	simm.s32 @!p0 $0x108  }
0x21: {  	s3 =	sadd.s32 s3, s9;
	s6 =	sadd.s32 @!p0 $0x88, s6;
	s7 =	simm.s32 @p2 $0x1082  }
0x22: {  	[simem:s7], [sflag:s8] =	dma.local @!p0 [hbm:s6], $0xF7A  }
0x23: {  	s9 =	sor.u32 $0xD0000000, s2;
	s6 =	simm.s32 $0x108;
	_ =	swait.ge @!p0 [sflag:s8], $0x0  }
0x24: {  	s3 =	sadd.s32 $0x88, s3;
	s6 =	simm.s32 @!p1 $0x1082;
	[sflag:s4] =	ssyncset.s32 $0xFFFFF086  }
0x25: {  	[simem:s6], [sflag:s4] =	dma.local [hbm:s3], $0xF7A  }
0x26: {  	[smem:$0x3F9D] =	sst s1;
	(tag) =	ssettag s2;
	_ =	strace s9  }
0x27: {  	s1 =	sld [smem:$0x3FAD]  }
0x28: {  	s2 =	sld [smem:$0x3FAE]  }
0x29: {  	s4 =	sld [smem:$0x3FB0]  }
0x2a: {  	p0 =	seq.s32 s5, $0x0;
	s5 =	sld [smem:$0x3FB1]  }
0x2b: {  	s6 =	sld [smem:$0x3FB2]  }
0x2c: {  	s7 =	sld [smem:$0x3FB3]  }
0x2d: {  	s3 =	simm.s32 $0x108;
	s8 =	sld [smem:$0x3FB4]  }
0x2e: {  	s3 =	simm.s32 @!p0 $0x1082;
	s9 =	sld [smem:$0x3FB5]  }
0x2f: {  	lr =	sadd.s32 s0, s3;
	s0 =	sld [smem:$0x3FAC]  }
0x30: {  	s3 =	sld [smem:$0x3FAF]  }
0x31: {  	[smem:$0x3FB8] =	sst s10  }
0x32: {  	s10 =	sld [smem:$0x3FB6];
	_ =	sdelay $0x3  }
0x33: {  	p0 =	seq.s32 s10, $0x1;
	s10 =	sld [smem:$0x3FB8];
	_ =	sdelay $0x3  }
0x34: {  	[smem:$0x3FB8] =	sst s10  }
0x35: {  	s10 =	sld [smem:$0x3FB7];
	_ =	sdelay $0x3  }
0x36: {  	p1 =	seq.s32 s10, $0x1;
	s10 =	sld [smem:$0x3FB8];
	_ =	sdelay $0x3  }
0x37: {  	[smem:$0x3FB8] =	sst s10  }
0x38: {  	s10 =	sld [smem:$0x3FB9]  }
0x39: {  	_ = 	snop;
	(pc) =	sbr.ind lr, $3  }
0x3a: {  	_ = 	snop  }
0x3b: {  	_ = 	snop  }
0x3c: {  	p2 =	seq.s32 s10, $0x1;
	s10 =	sld [smem:$0x3FB8]  }
0x3d: {  	_ =	shalt  }
0x3e: {  	_ =	shalt  }
0x3f: {  	_ =	shalt  }
0x40: {  	_ =	shalt  }
0x41: {  	_ =	shalt  }
0x42: {  	_ =	shalt  }
0x43: {  	_ =	shalt  }
0x44: {  	_ =	shalt  }
0x45: {  	_ =	shalt  }
0x46: {  	_ =	shalt  }
0x47: {  	_ =	shalt  }
0x48: {  	_ =	shalt  }
0x49: {  	_ =	shalt  }
0x4a: {  	_ =	shalt  }
0x4b: {  	_ =	shalt  }
0x4c: {  	_ =	shalt  }
0x4d: {  	_ =	shalt  }
0x4e: {  	_ =	shalt  }
0x4f: {  	_ =	shalt  }
0x50: {  	_ =	shalt  }
0x51: {  	_ =	shalt  }
0x52: {  	_ =	shalt  }
0x53: {  	_ =	shalt  }
0x54: {  	_ =	shalt  }
0x55: {  	_ =	shalt  }
0x56: {  	_ =	shalt  }
0x57: {  	_ =	shalt  }
0x58: {  	_ =	shalt  }
0x59: {  	_ =	shalt  }
0x5a: {  	_ =	shalt  }
0x5b: {  	_ =	shalt  }
0x5c: {  	_ =	shalt  }
0x5d: {  	_ =	shalt  }
0x5e: {  	_ =	shalt  }
0x5f: {  	_ =	shalt  }
0x60: {  	_ =	shalt  }
0x61: {  	_ =	shalt  }
0x62: {  	_ =	shalt  }
0x63: {  	_ =	shalt  }
0x64: {  	_ =	shalt  }
0x65: {  	_ =	shalt  }
0x66: {  	_ =	shalt  }
0x67: {  	_ =	shalt  }
0x68: {  	_ =	shalt  }
0x69: {  	_ =	shalt  }
0x6a: {  	_ =	shalt  }
0x6b: {  	_ =	shalt  }
0x6c: {  	_ =	shalt  }
0x6d: {  	_ =	shalt  }
0x6e: {  	_ =	shalt  }
0x6f: {  	_ =	shalt  }
0x70: {  	_ =	shalt  }
0x71: {  	_ =	shalt  }
0x72: {  	_ =	shalt  }
0x73: {  	_ =	shalt  }
0x74: {  	_ =	shalt  }
0x75: {  	_ =	shalt  }
0x76: {  	_ =	shalt  }
0x77: {  	_ =	shalt  }
0x78: {  	_ =	shalt  }
0x79: {  	_ =	shalt  }
0x7a: {  	_ =	shalt  }
0x7b: {  	_ =	shalt  }
0x7c: {  	_ =	shalt  }
0x7d: {  	_ =	shalt  }
0x7e: {  	_ =	shalt  }
0x7f: {  	_ =	shalt  }
0x80: {  	_ =	shalt  }
0x81: {  	_ =	shalt  }
0x82: {  	_ =	shalt  }
0x83: {  	_ =	shalt  }
0x84: {  	_ =	shalt  }
0x85: {  	_ =	shalt  }
0x86: {  	_ =	shalt  }
0x87: {  	_ =	shalt  }
.Lfunc_end0:
.L_simem_size_0:
called_computation_lowered:
.L_overlay_start_0:
0x88: {  	s2 =	sld [smem:$0x3FD9]  }
0x89: {  	s3 =	sld [smem:$0x3FFE];
	_ =	sdelay $0x1  }
0x8a: {  	s1 =	srdreg.scid  }
0x8b: {  	s0 =	sand.u32 $0x1, s1  }
0x8c: {  	s15 =	sshll.u32 s0, $0xA;
	s2 =	sadd.s32 s3, s2  }
0x8d: {  	s2 =	sadd.s32 s2, s15  }
0x8e: {  	[smem:$0x3FC4] =	sst s2  }
0x8f: {  	_ = 	snop  }
0x90: {  	s2 =	sld [smem:$0x3FD0];
	_ =	sdelay $0x1  }
0x91: {  	s16 =	sld [smem:$0x3FC9]  }
0x92: {  	s5 =	simm.s32 $0xA;
	s6 =	simm.s32 $0x10;
	s4 =	sld [smem:$0x3FC8]  }
0x93: {  	[smem:s6], [sflag:s5] =	dma.local [hbm:s2], $0x1  }
0x94: {  	_ =	swait.eq [sflag:s5], $0x1  }
0x95: {  	[sflag:s5] =	ssyncset.done $0x0  }
0x96: {  	[sflag:s5] =	ssyncadd.s32 $0xFFFFFFFF  }
0x97: {  	s17 =	sld [smem:$0x11];
	(tm) =	ssettm $0x1  }
0x98: {  	s18 =	sld [smem:$0x3FFB];
	_ =	sdelay $0x3  }
0x99: {  	_ =	strace s18  }
0x9a: {  	s5 =	sld [smem:$0x3FFC];
	_ =	sdelay $0x3  }
0x9b: {  	_ =	strace s5  }
0x9c: {  	s5 =	sld [smem:$0x3FFD];
	_ =	sdelay $0x3  }
0x9d: {  	_ =	strace s5  }
0x9e: {  	_ =	strace $0x8FFFFFFF  }
0x9f: {  	s19 =	sld [smem:$0x3FDB];
	_ =	sdelay $0x1  }
0xa0: {  	s20 =	simm.s32 $_scs_section_size  }
0xa1: {  	s7 =	simm.s32 $_size__tile_overlayer_lowered;
	s8 =	simm.s32 $_tile_overlayer_lowered  }
0xa2: {  	s23 =	simm.s32 $0x1BFF;
	s22 =	sshll.u32 s8, $0x1;
	s5 =	sadd.s32 s20, s19  }
0xa3: {  	s9 =	simm.s32 $0x0;
	s21 =	sshll.u32 s7, $0x1;
	s7 =	sadd.s32 s22, s5  }
0xa4: {  	[timem:s9], [sflag:s23] =	dma.local [hbm:s7], s21  }
0xa5: {  	_ =	swait.ge [sflag:s23], s21  }
0xa6: {  	s6 =	ssub.s32 $0x0, s21;
	[sflag:s23] =	ssyncset.done $0x0  }
0xa7: {  	[sflag:s23] =	ssyncadd.s32 s6;
	_ =	sdelay $0x1  }
0xa8: {  	s24 =	simm.s32 $0x1B8B  }
0xa9: {  	_ =	swait.ge [sflag:s24], $0x1  }
0xaa: {  	[sflag:s24] =	ssyncset.done $0x0  }
0xab: {  	s25 =	simm.s32 $0x1B8E;
	[sflag:s24] =	ssyncadd.s32 $0xFFFFFFFF  }
0xac: {  	s26 =	simm.s32 $execute0_lowered;
	[smem:$0x3FD2] =	sst s25  }
0xad: {  	s6 =	sshll.u32 s26, $0x1;
	_ =	strace $0x80000046;
	[dreg:$0x1] =	wrdreg $0xFFFFFFFF  }
0xae: {  	s28 =	simm.s32 $_size_execute0_lowered;
	s5 =	sadd.s32 s5, s6;
	[dreg:$0x0] =	wrdreg $0x0  }
0xaf: {  	s6 =	sshll.u32 s28, $0x1;
	[dreg:$0x2] =	wrdreg s5  }
0xb0: {  	[dreg:$0x3] =	wrdreg s6  }
0xb1: {  	[dreg:$0x4] =	wrdreg $0xC0  }
0xb2: {  	_ =	task [dreg:s9], $0x5FFFF  }
0xb3: {  	[dreg:$0x1] =	wrdreg $0xFFFFFFFF  }
0xb4: {  	[dreg:$0x0] =	wrdreg $0x60  }
0xb5: {  	[dreg:$0x2] =	wrdreg s16  }
0xb6: {  	[dreg:$0x3] =	wrdreg s4  }
0xb7: {  	[dreg:$0x4] =	wrdreg s17  }
0xb8: {  	[dreg:$0x5] =	wrdreg $0x9  }
0xb9: {  	_ =	task.clear_ibuf [dreg:s9], $0x6FFFF;
	_ =	strace $0x90000046  }
0xba: {  	s29 =	simm.s32 $0x9;
	_ =	strace $0x80000048  }
0xbb: {  	_ =	swait.ge [sflag:s29], $0x1  }
0xbc: {  	[sflag:s29] =	ssyncadd.s32 $0xFFFFFFFF  }
0xbd: {  	_ =	strace $0x90000048  }
0xbe: {  	_ =	sfence  }
0xbf: {  	s30 =	sld [smem:$0x0];
	_ =	sdelay $0x2  }
0xc0: {  	s31 =	sshll.u32 s1, $0xD;
	s1 =	sshrl.u32 s1, $0x2  }
0xc1: {  	s3 =	sand.u32 $0x4000, s31;
	s1 =	sadd.s32 s1, s30  }
0xc2: {  	s0 =	sor.u32 s3, s0;
	s1 =	sshll.u32 s1, $0x11  }
0xc3: {  	s0 =	sor.u32 s1, s0  }
0xc4: {  	s0 =	sadd.s32 $0x8F2B, s0  }
0xc5: {  	[sflag:s0] =	ssyncadd.remote.s32 $0x1  }
0xc6: {  	_ =	sfence.sel $0xFFFF  }
0xc7: {  	[dreg:$0x0] =	wrdreg $0xFFFFFFFF;
	(pc) =	sbr.abs _section_cstart, $3  }
0xc8: {  	[dreg:$0x1] =	wrdreg $0xFFFFFFFF  }
0xc9: {  	_ =	task.clear_ibuf [dreg:s9], $0x2FFFF;
	_ =	strace $0x9FFFFFFF  }
0xca: {  	(tm) =	ssettm $0x7FFFFFFF  }
0xcb: {  	_ =	shalt  }
tec
execute0_lowered:
.L_overlay_start_1:
0x0: {  	(tag) =	ssettag $0x1  }
0x1: {  	s1 =	srdreg.scid  }
0x2: {  	s4 =	rddreg [dreg:$0x0];
	s0 =	stileid.u32;
	s22 =	sand.u32 $0x1, s1  }
0x3: {  	s2 =	rddreg [dreg:$0x1];
	s5 =	sshll.u32 s0, $0xA;
	s6 =	sshll.u32 s22, $0x9  }
0x4: {  	s17 =	rddreg [dreg:$0x2];
	s3 =	simm.s32 $0x0;
	s15 =	sor.u32 s6, s5  }
0x5: {  	[smem:$0x7FF] =	sst s3;
	s5 =	sshrl.u32 s15, $0x3  }
0x6: {  	s1 =	rddreg [dreg:$0x3];
	_ =	strace $0x80000047;
	s4 =	sadd.s32 s4, s5  }
0x7: {  	[tilespmem:s3], [sflag:$0x1] =	stream.linear.gather [hbm4b:s4+s3], $0x80, $0x38;
	[tilespmem:$0x400] =	vst v63  }
0x8: {  	s6 =	simm.s32 $0x80;
	s5 =	sadd.s32 $0x10, s4  }
0x9: {  	[tilespmem:s6], [sflag:$0x1] =	stream.linear.gather [hbm4b:s5+s3], $0x80, $0x38;
	[tilespmem:$0x400] =	vst v63  }
0xa: {  	s8 =	simm.s32 $0x100;
	s7 =	sadd.s32 $0x20, s4  }
0xb: {  	[tilespmem:s8], [sflag:$0x1] =	stream.linear.gather [hbm4b:s7+s3], $0x80, $0x38;
	[tilespmem:$0x400] =	vst v63  }
0xc: {  	s10 =	simm.s32 $0x180;
	s11 =	simm.s32 $0x1;
	s9 =	sadd.s32 $0x30, s4  }
0xd: {  	[tilespmem:s10], [sflag:$0x1] =	stream.linear.gather [hbm4b:s9+s3], $0x80, $0x38;
	[tilespmem:$0x400] =	vst v63  }
0xe: {  	_ =	swait.ge [sflag:s11], $0x80  }
0xf: {  	[sflag:s11] =	ssyncset.done $0x0  }
0x10: {  	s12 =	simm.s32 $0x200;
	[sflag:s11] =	ssyncadd.s32 $0xFFFFFF80  }
0x11: {  	[tilespmem:s12], [sflag:$0x2] =	stream.indirect.gather [hbm4b:s2+s6], $0x1, s3, s6, $0xb8;
	[tilespmem:$0x400] =	vst v63  }
0x12: {  	_ =	swait.ge [sflag:s11], $0x80  }
0x13: {  	[sflag:s11] =	ssyncset.done $0x0  }
0x14: {  	s13 =	simm.s32 $0x280;
	[sflag:s11] =	ssyncadd.s32 $0xFFFFFF80  }
0x15: {  	[tilespmem:s13], [sflag:$0x2] =	stream.indirect.gather [hbm4b:s2+s6], $0x1, s6, s6, $0xb8;
	[tilespmem:$0x400] =	vst v63  }
0x16: {  	_ =	swait.ge [sflag:s11], $0x80  }
0x17: {  	[sflag:s11] =	ssyncset.done $0x0  }
0x18: {  	s14 =	simm.s32 $0x300;
	[sflag:s11] =	ssyncadd.s32 $0xFFFFFF80  }
0x19: {  	[tilespmem:s14], [sflag:$0x2] =	stream.indirect.gather [hbm4b:s2+s6], $0x1, s8, s6, $0xb8;
	[tilespmem:$0x400] =	vst v63  }
0x1a: {  	s16 =	sshll.u32 s0, $0x5;
	s15 =	sshll.u32 s15, $0x2;
	_ =	swait.ge [sflag:s11], $0x80  }
0x1b: {  	s18 =	sor.u32 s16, s15;
	[sflag:s11] =	ssyncset.done $0x0  }
0x1c: {  	s15 =	simm.s32 $0x380;
	s16 =	simm.s32 $0x2;
	[sflag:s11] =	ssyncadd.s32 $0xFFFFFF80  }
0x1d: {  	[tilespmem:s15], [sflag:$0x2] =	stream.indirect.gather [hbm4b:s2+s6], $0x1, s10, s6, $0xb8;
	[tilespmem:$0x400] =	vst v63  }
0x1e: {  	s18 =	sand.u32 $0x3980, s18;
	_ =	swait.ge [sflag:s16], $0x80  }
0x1f: {  	s18 =	sshrl.u32 s18, $0x3;
	[sflag:s16] =	ssyncset.done $0x0  }
0x20: {  	s17 =	sadd.s32 s17, s18;
	[sflag:s16] =	ssyncadd.s32 $0xFFFFFF80  }
0x21: {  	[hbm4b:s17+s3] =	stream.linear.scatter [tilespmem:s12], [sflag:$0x3], $0x80, $0x38;
	[tilespmem:$0x400] =	vst v63  }
0x22: {  	_ =	swait.ge [sflag:s16], $0x80  }
0x23: {  	[sflag:s16] =	ssyncset.done $0x0  }
0x24: {  	s18 =	sadd.s32 $0x40, s17;
	[sflag:s16] =	ssyncadd.s32 $0xFFFFFF80  }
0x25: {  	[hbm4b:s18+s3] =	stream.linear.scatter [tilespmem:s13], [sflag:$0x3], $0x80, $0x38;
	[tilespmem:$0x400] =	vst v63  }
0x26: {  	_ =	swait.ge [sflag:s16], $0x80  }
0x27: {  	[sflag:s16] =	ssyncset.done $0x0  }
0x28: {  	s19 =	sadd.s32 $0x80, s17;
	[sflag:s16] =	ssyncadd.s32 $0xFFFFFF80  }
0x29: {  	[hbm4b:s19+s3] =	stream.linear.scatter [tilespmem:s14], [sflag:$0x3], $0x80, $0x38;
	[tilespmem:$0x400] =	vst v63  }
0x2a: {  	_ =	swait.ge [sflag:s16], $0x80  }
0x2b: {  	[sflag:s16] =	ssyncset.done $0x0  }
0x2c: {  	s20 =	simm.s32 $0x3;
	s21 =	sadd.s32 $0xC0, s17;
	[sflag:s16] =	ssyncadd.s32 $0xFFFFFF80  }
0x2d: {  	[hbm4b:s21+s3] =	stream.linear.scatter [tilespmem:s15], [sflag:$0x3], $0x80, $0x38;
	[tilespmem:$0x400] =	vst v63  }
0x2e: {  	_ =	swait.ge [sflag:s20], $0x80  }
0x2f: {  	s22 =	ssub.s32 $0x2, s22;
	[sflag:s20] =	ssyncset.done $0x0  }
0x30: {  	s23 =	sshrl.u32 s22, $0x1;
	[sflag:s20] =	ssyncadd.s32 $0xFFFFFF80  }
0x31: {  	s22 =	ssub.s32 s22, s23;
	_ =	swait.ge [sflag:s20], $0x80  }
0x32: {  	s22 =	smax.u32 s22, $0x1;
	[sflag:s20] =	ssyncset.done $0x0  }
0x33: {  	p0 =	sne.s32 s22, $0x1;
	[sflag:s20] =	ssyncadd.s32 $0xFFFFFF80  }
.Ltmp0:
0x34: {  	_ =	swait.ge [sflag:s20], $0x80;
	(pc) =	sbr.rel @!p0 .LBB2_2-.Ltmp0, $4  }
0x35: {  	[sflag:s20] =	ssyncset.done $0x0  }
0x36: {  	[sflag:s20] =	ssyncadd.s32 $0xFFFFFF80  }
0x37: {  	_ =	swait.ge [sflag:s20], $0x80  }
0x38: {  	s22 =	sadd.s32 $0xFFFFFFFF, s22;
	[sflag:s20] =	ssyncset.done $0x0  }
.LBB2_1:
0x39: {  	p0 =	sne.s32 s22, $0x1;
	s22 =	sadd.s32 $0xFFFFFFFF, s22;
	[sflag:s20] =	ssyncadd.s32 $0xFFFFFF80  }
0x3a: {  	[tilespmem:s3], [sflag:$0x1] =	stream.linear.gather [hbm4b:s4+s3], $0x80, $0x38;
	[tilespmem:$0x400] =	vst v63  }
0x3b: {  	_ = 	snop  }
0x3c: {  	[tilespmem:s6], [sflag:$0x1] =	stream.linear.gather [hbm4b:s5+s3], $0x80, $0x38;
	[tilespmem:$0x400] =	vst v63  }
0x3d: {  	_ = 	snop  }
0x3e: {  	[tilespmem:s8], [sflag:$0x1] =	stream.linear.gather [hbm4b:s7+s3], $0x80, $0x38;
	[tilespmem:$0x400] =	vst v63  }
0x3f: {  	_ = 	snop  }
0x40: {  	[tilespmem:s10], [sflag:$0x1] =	stream.linear.gather [hbm4b:s9+s3], $0x80, $0x38;
	[tilespmem:$0x400] =	vst v63  }
0x41: {  	_ =	swait.ge [sflag:s11], $0x80  }
0x42: {  	[sflag:s11] =	ssyncset.done $0x0  }
0x43: {  	[sflag:s11] =	ssyncadd.s32 $0xFFFFFF80  }
0x44: {  	[tilespmem:s12], [sflag:$0x2] =	stream.indirect.gather [hbm4b:s2+s6], $0x1, s3, s6, $0xb8;
	[tilespmem:$0x400] =	vst v63  }
0x45: {  	_ =	swait.ge [sflag:s11], $0x80  }
0x46: {  	[sflag:s11] =	ssyncset.done $0x0  }
0x47: {  	[sflag:s11] =	ssyncadd.s32 $0xFFFFFF80  }
0x48: {  	[tilespmem:s13], [sflag:$0x2] =	stream.indirect.gather [hbm4b:s2+s6], $0x1, s6, s6, $0xb8;
	[tilespmem:$0x400] =	vst v63  }
0x49: {  	_ =	swait.ge [sflag:s11], $0x80  }
0x4a: {  	[sflag:s11] =	ssyncset.done $0x0  }
0x4b: {  	[sflag:s11] =	ssyncadd.s32 $0xFFFFFF80  }
0x4c: {  	[tilespmem:s14], [sflag:$0x2] =	stream.indirect.gather [hbm4b:s2+s6], $0x1, s8, s6, $0xb8;
	[tilespmem:$0x400] =	vst v63  }
0x4d: {  	_ =	swait.ge [sflag:s11], $0x80  }
0x4e: {  	[sflag:s11] =	ssyncset.done $0x0  }
0x4f: {  	[sflag:s11] =	ssyncadd.s32 $0xFFFFFF80  }
0x50: {  	[tilespmem:s15], [sflag:$0x2] =	stream.indirect.gather [hbm4b:s2+s6], $0x1, s10, s6, $0xb8;
	[tilespmem:$0x400] =	vst v63  }
0x51: {  	_ =	swait.ge [sflag:s16], $0x80  }
0x52: {  	[sflag:s16] =	ssyncset.done $0x0  }
0x53: {  	[sflag:s16] =	ssyncadd.s32 $0xFFFFFF80  }
0x54: {  	[hbm4b:s17+s3] =	stream.linear.scatter [tilespmem:s12], [sflag:$0x3], $0x80, $0x38;
	[tilespmem:$0x400] =	vst v63  }
0x55: {  	_ =	swait.ge [sflag:s16], $0x80  }
0x56: {  	[sflag:s16] =	ssyncset.done $0x0  }
0x57: {  	[sflag:s16] =	ssyncadd.s32 $0xFFFFFF80  }
0x58: {  	[hbm4b:s18+s3] =	stream.linear.scatter [tilespmem:s13], [sflag:$0x3], $0x80, $0x38;
	[tilespmem:$0x400] =	vst v63  }
0x59: {  	_ =	swait.ge [sflag:s16], $0x80  }
0x5a: {  	[sflag:s16] =	ssyncset.done $0x0  }
0x5b: {  	[sflag:s16] =	ssyncadd.s32 $0xFFFFFF80  }
0x5c: {  	[hbm4b:s19+s3] =	stream.linear.scatter [tilespmem:s14], [sflag:$0x3], $0x80, $0x38;
	[tilespmem:$0x400] =	vst v63  }
0x5d: {  	_ =	swait.ge [sflag:s16], $0x80  }
0x5e: {  	[sflag:s16] =	ssyncset.done $0x0  }
0x5f: {  	[sflag:s16] =	ssyncadd.s32 $0xFFFFFF80  }
0x60: {  	[hbm4b:s21+s3] =	stream.linear.scatter [tilespmem:s15], [sflag:$0x3], $0x80, $0x38;
	[tilespmem:$0x400] =	vst v63  }
0x61: {  	_ =	swait.ge [sflag:s20], $0x80  }
0x62: {  	[sflag:s20] =	ssyncset.done $0x0  }
0x63: {  	[sflag:s20] =	ssyncadd.s32 $0xFFFFFF80  }
0x64: {  	_ =	swait.ge [sflag:s20], $0x80  }
0x65: {  	[sflag:s20] =	ssyncset.done $0x0  }
0x66: {  	[sflag:s20] =	ssyncadd.s32 $0xFFFFFF80  }
.Ltmp1:
0x67: {  	_ =	swait.ge [sflag:s20], $0x80;
	(pc) =	sbr.rel @p0 .LBB2_1-.Ltmp1, $4  }
0x68: {  	[sflag:s20] =	ssyncset.done $0x0  }
0x69: {  	[sflag:s20] =	ssyncadd.s32 $0xFFFFFF80  }
0x6a: {  	_ =	swait.ge [sflag:s20], $0x80  }
0x6b: {  	[sflag:s20] =	ssyncset.done $0x0  }
.LBB2_2:
0x6c: {  	[sflag:s20] =	ssyncadd.s32 $0xFFFFFF80  }
0x6d: {  	_ =	sfence.sel $0x180000  }
0x6e: {  	[bflag:$0x0] =	sbarrier.arrive $0xFFFF  }
0x6f: {  	p0 =	sne.s32 s0, $0x0;
	_ =	strace $0x90000047  }
0x70: {  	s0 =	sadd.s32 @!p0 $0x100000, s1;
	[bflag:$0x2] =	sbarrier.arrive $0xFFFF  }
0x71: {  	[sflag:s0] =	ssyncadd.tile.s32 @!p0 $0x1;
	_ =	shalt  }
.Lfunc_end2:
_tile_overlayer_lowered:
.L_overlay_start_2:
0x72: {  	(tag) =	ssettag $0x2  }
0x73: {  	s0 =	rddreg [dreg:$0x0];
	s2 =	stileid.u32  }
0x74: {  	s1 =	rddreg [dreg:$0x1];
	p0 =	sne.s32 s2, $0x0  }
0x75: {  	s3 =	rddreg [dreg:$0x2];
	[bflag:$0x3] =	sbarrier.arrive $0xFFFF;
	s2 =	simm.s32 @!p0 $0x1C04  }
0x76: {  	[timem:s3], [sflag:s2] =	dma.local @!p0 [hbm:s0], s1  }
0x77: {  	s0 =	simm.s32 @!p0 $0x4  }
0x78: {  	_ =	swait.ge @!p0 [sflag:s0], s1  }
0x79: {  	s1 =	ssub.s32 @!p0 $0x0, s1;
	[sflag:s0] =	ssyncset.done @!p0 $0x0  }
0x7a: {  	[sflag:s0] =	ssyncadd.s32 @!p0 s1  }
0x7b: {  	[bflag:$0x3] =	sbarrier.arrive $0xFFFF  }
0x7c: {  	_ =	shalt  }

</sc_bundles>
